<compile_context>
chip_gen: v7x
topology: tpu7x:2x2x1
jax: 0.10.2.dev20260603
libtpu: 0.0.44.dev20260713+nightly
codegen_flags: <defaults>
</compile_context>

<pallas_src>
import jax
import jax.numpy as jnp
from jax import lax
from jax.experimental import pallas as pl
from jax.experimental.pallas import tpu as pltpu
from jax.experimental.pallas import tpu_sc as plsc

N = 1_000_000
NW = 32
C = 31_232
H = C // 2
TAIL = N - NW * C
TAB_PAD = 128


def _body(z_hbm, tab_hbm, out_hbm, tab_v, z_v, g_v, sem_t, sem0, sem1, sem_o):
    c = lax.axis_index("c")
    s = lax.axis_index("s")
    wid = s * 2 + c
    base = pl.multiple_of(wid * C, 256)
    h_t = pltpu.async_copy(tab_hbm, tab_v.at[pl.ds(0, 100)], sem_t)
    h0 = pltpu.async_copy(z_hbm.at[pl.ds(base, H)], z_v.at[pl.ds(0, H)], sem0)
    h1 = pltpu.async_copy(z_hbm.at[pl.ds(base + H, H)], z_v.at[pl.ds(H, H)], sem1)
    h_t.wait()
    h0.wait()

    def _gather16(i):
        g_v[pl.ds(i, 16)] = plsc.load_gather(tab_v, [z_v[pl.ds(i, 16)]])

    @plsc.parallel_loop(0, H, step=16, unroll=8)
    def _step0(i):
        _gather16(i)

    h_o = pltpu.async_copy(g_v.at[pl.ds(0, H)], out_hbm.at[pl.ds(base, H)], sem_o)
    h1.wait()

    @plsc.parallel_loop(H, C, step=16, unroll=8)
    def _step1(i):
        _gather16(i)

    pltpu.sync_copy(g_v.at[pl.ds(H, H)], out_hbm.at[pl.ds(base + H, H)])

    @pl.when(wid == NW - 1)
    def _tail():
        pltpu.sync_copy(z_hbm.at[pl.ds(NW * C, TAIL)], z_v.at[pl.ds(C, TAIL)])

        @plsc.parallel_loop(C, C + TAIL, step=16, unroll=8)
        def _stept(i):
            _gather16(i)

        pltpu.sync_copy(g_v.at[pl.ds(C, TAIL)], out_hbm.at[pl.ds(NW * C, TAIL)])

    h_o.wait()


def kernel(x, z, atomref_weight):
    zi = z.astype(jnp.int32)
    tab = atomref_weight.reshape(-1)
    mesh = plsc.VectorSubcoreMesh(core_axis_name="c", subcore_axis_name="s")
    g = pl.kernel(
        _body,
        out_type=jax.ShapeDtypeStruct((N,), jnp.float32),
        mesh=mesh,
        compiler_params=pltpu.CompilerParams(needs_layout_passes=False),
        scratch_types=[
            pltpu.VMEM((TAB_PAD,), jnp.float32),
            pltpu.VMEM((C + TAIL,), jnp.int32),
            pltpu.VMEM((C + TAIL,), jnp.float32),
            pltpu.SemaphoreType.DMA,
            pltpu.SemaphoreType.DMA,
            pltpu.SemaphoreType.DMA,
            pltpu.SemaphoreType.DMA,
        ],
    )(zi, tab)
    return x + g.reshape(N, 1)

# --- scband reference (transcript-rebuilt; emitter-appended) ---
"""Pipeline reference for scband-atomref-89687507075550 (READ-ONLY COPY).

The authoritative reference and input builder live on the scoring server;
editing this copy changes nothing except your own understanding.
"""

import jax, jax.numpy as jnp
import numpy as np

N = 1000000
MAX_Z = 100

def setup_inputs(seed: int = 0) -> dict:
    key = jax.random.key(seed)
    k1, k2, k3 = jax.random.split(key, 3)
    x = jax.random.normal(k1, (N, 1), dtype=jnp.float32)
    z = jax.random.randint(k2, (N,), 0, MAX_Z, dtype=jnp.int64 if jax.config.jax_enable_x64 else jnp.int32)
    # Learned embedding table (atomref weights); module initializes from
    # initial_atomref but the Embedding weight is a trainable parameter.
    atomref_weight = jax.random.normal(k3, (MAX_Z, 1), dtype=jnp.float32) * 0.1
    return {"x": x, "z": z, "atomref_weight": atomref_weight}

def reference(x, z, atomref_weight):
    # x + self.atomref(z): embedding lookup of shape [N, 1] added to x [N, 1]
    return x + jnp.take(atomref_weight, z, axis=0)

if __name__ == "__main__":
    import jax
    _d = setup_inputs()
    print(jax.jit(kernel)(*tuple(_d.values())))

</pallas_src>

<mosaic_0001>
#map = affine_map<(d0, d1) -> (0)>
module attributes {stable_mosaic.version = 14 : i64} {
  func.func @_body(%arg0: i32, %arg1: i32, %arg2: memref<1000000xi32, #tpu.memory_space<hbm>>, %arg3: memref<100xf32, #tpu.memory_space<hbm>>, %arg4: memref<1000000xf32, #tpu.memory_space<hbm>>, %arg5: memref<128xf32, #tpu.memory_space<vmem>>, %arg6: memref<31808xi32, #tpu.memory_space<vmem>>, %arg7: memref<31808xf32, #tpu.memory_space<vmem>>, %arg8: memref<!tpu.dma_semaphore, #tpu.memory_space<semaphore_mem>>, %arg9: memref<!tpu.dma_semaphore, #tpu.memory_space<semaphore_mem>>, %arg10: memref<!tpu.dma_semaphore, #tpu.memory_space<semaphore_mem>>, %arg11: memref<!tpu.dma_semaphore, #tpu.memory_space<semaphore_mem>>) attributes {dimension_semantics = [#tpu.dimension_semantics<core_parallel>, #tpu.dimension_semantics<subcore_parallel>], iteration_bounds = array<i64: 2, 16>, scalar_prefetch = 0 : i64, scratch_operands = 7 : i64, tpu.core_type = #tpu.core_type<sc_vector_subcore>, window_params = [{transform_indices = #map}, {transform_indices = #map}, {transform_indices = #map}]} {
    %mul3A = arith.constant 2 : i32
    %mul3A_0 = arith.muli %arg1, %mul3A : i32
    %add3A = arith.addi %mul3A_0, %arg0 : i32
    %mul3A_1 = arith.constant 31232 : i32
    %mul3A_2 = arith.muli %add3A, %mul3A_1 : i32
    %multiple_of3A = tpu.assume_multiple %mul3A_2, 256 : i32
    %dma_start3A = arith.constant 0 : i32
    %dma_start3A_3 = tpu.memref_slice %arg5[%dma_start3A] : memref<128xf32, #tpu.memory_space<vmem>> -> memref<100xf32, #tpu.memory_space<vmem>>
    %dma_start3A_4 = arith.constant 0 : i32
    %dma_start3A_5 = tpu.memref_slice %arg5[%dma_start3A_4] : memref<128xf32, #tpu.memory_space<vmem>> -> memref<100xf32, #tpu.memory_space<vmem>>
    tpu.enqueue_dma source(%arg3 : memref<100xf32, #tpu.memory_space<hbm>>) target(%dma_start3A_5 : memref<100xf32, #tpu.memory_space<vmem>>) target_semaphore(%arg8 : memref<!tpu.dma_semaphore, #tpu.memory_space<semaphore_mem>>)
    %dma_start3A_6 = arith.constant 0 : i32
    %dma_start3A_7 = tpu.memref_slice %arg6[%dma_start3A_6] : memref<31808xi32, #tpu.memory_space<vmem>> -> memref<15616xi32, #tpu.memory_space<vmem>>
    %dma_start3A_8 = tpu.memref_slice %arg2[%multiple_of3A] : memref<1000000xi32, #tpu.memory_space<hbm>> -> memref<15616xi32, #tpu.memory_space<hbm>>
    %dma_start3A_9 = arith.constant 0 : i32
    %dma_start3A_10 = tpu.memref_slice %arg6[%dma_start3A_9] : memref<31808xi32, #tpu.memory_space<vmem>> -> memref<15616xi32, #tpu.memory_space<vmem>>
    %dma_start3A_11 = tpu.memref_slice %arg2[%multiple_of3A] : memref<1000000xi32, #tpu.memory_space<hbm>> -> memref<15616xi32, #tpu.memory_space<hbm>>
    tpu.enqueue_dma source(%dma_start3A_11 : memref<15616xi32, #tpu.memory_space<hbm>>) target(%dma_start3A_10 : memref<15616xi32, #tpu.memory_space<vmem>>) target_semaphore(%arg9 : memref<!tpu.dma_semaphore, #tpu.memory_space<semaphore_mem>>)
    %add3A_12 = arith.constant 15616 : i32
    %add3A_13 = arith.addi %multiple_of3A, %add3A_12 : i32
    %dma_start3A_14 = arith.constant 15616 : i32
    %dma_start3A_15 = tpu.memref_slice %arg6[%dma_start3A_14] : memref<31808xi32, #tpu.memory_space<vmem>> -> memref<15616xi32, #tpu.memory_space<vmem>>
    %dma_start3A_16 = tpu.memref_slice %arg2[%add3A_13] : memref<1000000xi32, #tpu.memory_space<hbm>> -> memref<15616xi32, #tpu.memory_space<hbm>>
    %dma_start3A_17 = arith.constant 15616 : i32
    %dma_start3A_18 = tpu.memref_slice %arg6[%dma_start3A_17] : memref<31808xi32, #tpu.memory_space<vmem>> -> memref<15616xi32, #tpu.memory_space<vmem>>
    %dma_start3A_19 = tpu.memref_slice %arg2[%add3A_13] : memref<1000000xi32, #tpu.memory_space<hbm>> -> memref<15616xi32, #tpu.memory_space<hbm>>
    tpu.enqueue_dma source(%dma_start3A_19 : memref<15616xi32, #tpu.memory_space<hbm>>) target(%dma_start3A_18 : memref<15616xi32, #tpu.memory_space<vmem>>) target_semaphore(%arg10 : memref<!tpu.dma_semaphore, #tpu.memory_space<semaphore_mem>>)
    %dma_wait3A = arith.constant 0 : i32
    %dma_wait3A_20 = tpu.memref_slice %arg5[%dma_wait3A] : memref<128xf32, #tpu.memory_space<vmem>> -> memref<100xf32, #tpu.memory_space<vmem>>
    %dma_wait3A_21 = arith.constant 0 : i32
    %dma_wait3A_22 = tpu.memref_slice %arg5[%dma_wait3A_21] : memref<128xf32, #tpu.memory_space<vmem>> -> memref<100xf32, #tpu.memory_space<vmem>>
    tpu.wait_dma2 semaphore(%arg8 : memref<!tpu.dma_semaphore, #tpu.memory_space<semaphore_mem>>) src(%arg3 : memref<100xf32, #tpu.memory_space<hbm>>) dst(%dma_wait3A_22 : memref<100xf32, #tpu.memory_space<vmem>>)
    %dma_wait3A_23 = arith.constant 0 : i32
    %dma_wait3A_24 = tpu.memref_slice %arg6[%dma_wait3A_23] : memref<31808xi32, #tpu.memory_space<vmem>> -> memref<15616xi32, #tpu.memory_space<vmem>>
    %dma_wait3A_25 = tpu.memref_slice %arg2[%multiple_of3A] : memref<1000000xi32, #tpu.memory_space<hbm>> -> memref<15616xi32, #tpu.memory_space<hbm>>
    %dma_wait3A_26 = arith.constant 0 : i32
    %dma_wait3A_27 = tpu.memref_slice %arg6[%dma_wait3A_26] : memref<31808xi32, #tpu.memory_space<vmem>> -> memref<15616xi32, #tpu.memory_space<vmem>>
    %dma_wait3A_28 = tpu.memref_slice %arg2[%multiple_of3A] : memref<1000000xi32, #tpu.memory_space<hbm>> -> memref<15616xi32, #tpu.memory_space<hbm>>
    tpu.wait_dma2 semaphore(%arg9 : memref<!tpu.dma_semaphore, #tpu.memory_space<semaphore_mem>>) src(%dma_wait3A_28 : memref<15616xi32, #tpu.memory_space<hbm>>) dst(%dma_wait3A_27 : memref<15616xi32, #tpu.memory_space<vmem>>)
    %parallel_loop3A = arith.constant 0 : i32
    %parallel_loop3A_29 = arith.constant 15616 : i32
    %parallel_loop3A_30 = arith.constant 16 : i32
    scf.for %parallel_loop3A_56 = %parallel_loop3A to %parallel_loop3A_29 step %parallel_loop3A_30  : i32 {
      %parallel_loop3A_57 = arith.index_cast %parallel_loop3A_56 : i32 to index
      %parallel_loop3A_58 = tpu.vector_load %arg6[%parallel_loop3A_57] {strides = array<i32>} : memref<31808xi32, #tpu.memory_space<vmem>>, vector<16xi32>,
      %parallel_loop3A_59 = tpu.vector_load_idx %arg5[%parallel_loop3A_58] : memref<128xf32, #tpu.memory_space<vmem>>[vector<16xi32>], vector<16xf32>,
      %parallel_loop3A_60 = arith.index_cast %parallel_loop3A_56 : i32 to index
      %parallel_loop3A_61 = tpu.vector_load %arg7[%parallel_loop3A_60] {strides = array<i32>} : memref<31808xf32, #tpu.memory_space<vmem>>, vector<16xf32>,
      tpu.vector_store %arg7[%parallel_loop3A_60], %parallel_loop3A_59 {strides = array<i32>} : memref<31808xf32, #tpu.memory_space<vmem>>, vector<16xf32>,
    } {sc.loop_unroll_factor = 8 : i64, sc.parallel_access}
    %dma_start3A_31 = arith.constant 0 : i32
    %dma_start3A_32 = tpu.memref_slice %arg7[%dma_start3A_31] : memref<31808xf32, #tpu.memory_space<vmem>> -> memref<15616xf32, #tpu.memory_space<vmem>>
    %dma_start3A_33 = tpu.memref_slice %arg4[%multiple_of3A] : memref<1000000xf32, #tpu.memory_space<hbm>> -> memref<15616xf32, #tpu.memory_space<hbm>>
    %dma_start3A_34 = tpu.memref_slice %arg4[%multiple_of3A] : memref<1000000xf32, #tpu.memory_space<hbm>> -> memref<15616xf32, #tpu.memory_space<hbm>>
    %dma_start3A_35 = arith.constant 0 : i32
    %dma_start3A_36 = tpu.memref_slice %arg7[%dma_start3A_35] : memref<31808xf32, #tpu.memory_space<vmem>> -> memref<15616xf32, #tpu.memory_space<vmem>>
    tpu.enqueue_dma source(%dma_start3A_36 : memref<15616xf32, #tpu.memory_space<vmem>>) target(%dma_start3A_34 : memref<15616xf32, #tpu.memory_space<hbm>>) target_semaphore(%arg11 : memref<!tpu.dma_semaphore, #tpu.memory_space<semaphore_mem>>)
    %dma_wait3A_37 = arith.constant 15616 : i32
    %dma_wait3A_38 = tpu.memref_slice %arg6[%dma_wait3A_37] : memref<31808xi32, #tpu.memory_space<vmem>> -> memref<15616xi32, #tpu.memory_space<vmem>>
    %dma_wait3A_39 = tpu.memref_slice %arg2[%add3A_13] : memref<1000000xi32, #tpu.memory_space<hbm>> -> memref<15616xi32, #tpu.memory_space<hbm>>
    %dma_wait3A_40 = arith.constant 15616 : i32
    %dma_wait3A_41 = tpu.memref_slice %arg6[%dma_wait3A_40] : memref<31808xi32, #tpu.memory_space<vmem>> -> memref<15616xi32, #tpu.memory_space<vmem>>
    %dma_wait3A_42 = tpu.memref_slice %arg2[%add3A_13] : memref<1000000xi32, #tpu.memory_space<hbm>> -> memref<15616xi32, #tpu.memory_space<hbm>>
    tpu.wait_dma2 semaphore(%arg10 : memref<!tpu.dma_semaphore, #tpu.memory_space<semaphore_mem>>) src(%dma_wait3A_42 : memref<15616xi32, #tpu.memory_space<hbm>>) dst(%dma_wait3A_41 : memref<15616xi32, #tpu.memory_space<vmem>>)
    %parallel_loop3A_43 = arith.constant 15616 : i32
    %parallel_loop3A_44 = arith.constant 31232 : i32
    %parallel_loop3A_45 = arith.constant 16 : i32
    scf.for %parallel_loop3A_56 = %parallel_loop3A_43 to %parallel_loop3A_44 step %parallel_loop3A_45  : i32 {
      %parallel_loop3A_57 = arith.index_cast %parallel_loop3A_56 : i32 to index
      %parallel_loop3A_58 = tpu.vector_load %arg6[%parallel_loop3A_57] {strides = array<i32>} : memref<31808xi32, #tpu.memory_space<vmem>>, vector<16xi32>,
      %parallel_loop3A_59 = tpu.vector_load_idx %arg5[%parallel_loop3A_58] : memref<128xf32, #tpu.memory_space<vmem>>[vector<16xi32>], vector<16xf32>,
      %parallel_loop3A_60 = arith.index_cast %parallel_loop3A_56 : i32 to index
      %parallel_loop3A_61 = tpu.vector_load %arg7[%parallel_loop3A_60] {strides = array<i32>} : memref<31808xf32, #tpu.memory_space<vmem>>, vector<16xf32>,
      tpu.vector_store %arg7[%parallel_loop3A_60], %parallel_loop3A_59 {strides = array<i32>} : memref<31808xf32, #tpu.memory_space<vmem>>, vector<16xf32>,
    } {sc.loop_unroll_factor = 8 : i64, sc.parallel_access}
    %add3A_46 = arith.constant 15616 : i32
    %add3A_47 = arith.addi %multiple_of3A, %add3A_46 : i32
    "tpu.region"() ({
      %run_scoped3A = tpu.sem_alloc : memref<!tpu.dma_semaphore, #tpu.memory_space<semaphore_mem>>
      %dma_start3A_56 = arith.constant 15616 : i32
      %dma_start3A_57 = tpu.memref_slice %arg7[%dma_start3A_56] : memref<31808xf32, #tpu.memory_space<vmem>> -> memref<15616xf32, #tpu.memory_space<vmem>>
      %dma_start3A_58 = tpu.memref_slice %arg4[%add3A_47] : memref<1000000xf32, #tpu.memory_space<hbm>> -> memref<15616xf32, #tpu.memory_space<hbm>>
      %dma_start3A_59 = tpu.memref_slice %arg4[%add3A_47] : memref<1000000xf32, #tpu.memory_space<hbm>> -> memref<15616xf32, #tpu.memory_space<hbm>>
      %dma_start3A_60 = arith.constant 15616 : i32
      %dma_start3A_61 = tpu.memref_slice %arg7[%dma_start3A_60] : memref<31808xf32, #tpu.memory_space<vmem>> -> memref<15616xf32, #tpu.memory_space<vmem>>
      tpu.enqueue_dma source(%dma_start3A_61 : memref<15616xf32, #tpu.memory_space<vmem>>) target(%dma_start3A_59 : memref<15616xf32, #tpu.memory_space<hbm>>) target_semaphore(%run_scoped3A : memref<!tpu.dma_semaphore, #tpu.memory_space<semaphore_mem>>)
      %dma_wait3A_62 = arith.constant 15616 : i32
      %dma_wait3A_63 = tpu.memref_slice %arg7[%dma_wait3A_62] : memref<31808xf32, #tpu.memory_space<vmem>> -> memref<15616xf32, #tpu.memory_space<vmem>>
      %dma_wait3A_64 = tpu.memref_slice %arg4[%add3A_47] : memref<1000000xf32, #tpu.memory_space<hbm>> -> memref<15616xf32, #tpu.memory_space<hbm>>
      %dma_wait3A_65 = tpu.memref_slice %arg4[%add3A_47] : memref<1000000xf32, #tpu.memory_space<hbm>> -> memref<15616xf32, #tpu.memory_space<hbm>>
      %dma_wait3A_66 = arith.constant 15616 : i32
      %dma_wait3A_67 = tpu.memref_slice %arg7[%dma_wait3A_66] : memref<31808xf32, #tpu.memory_space<vmem>> -> memref<15616xf32, #tpu.memory_space<vmem>>
      tpu.wait_dma2 semaphore(%run_scoped3A : memref<!tpu.dma_semaphore, #tpu.memory_space<semaphore_mem>>) src(%dma_wait3A_67 : memref<15616xf32, #tpu.memory_space<vmem>>) dst(%dma_wait3A_65 : memref<15616xf32, #tpu.memory_space<hbm>>)
      tpu.yield
    }) : () -> ()
    %eq3A = arith.constant 31 : i32
    %eq3A_48 = arith.cmpi eq, %add3A, %eq3A : i32
    %convert_element_type3A = arith.extui %eq3A_48 : i1 to i32
    %cond3A = arith.constant 0 : i32
    %cond3A_49 = arith.cmpi ne, %convert_element_type3A, %cond3A : i32
    scf.if %cond3A_49 {
      "tpu.region"() ({
        %run_scoped3A = tpu.sem_alloc : memref<!tpu.dma_semaphore, #tpu.memory_space<semaphore_mem>>
        %dma_start3A_59 = arith.constant 31232 : i32
        %dma_start3A_60 = tpu.memref_slice %arg6[%dma_start3A_59] : memref<31808xi32, #tpu.memory_space<vmem>> -> memref<576xi32, #tpu.memory_space<vmem>>
        %dma_start3A_61 = arith.constant 999424 : i32
        %dma_start3A_62 = tpu.memref_slice %arg2[%dma_start3A_61] : memref<1000000xi32, #tpu.memory_space<hbm>> -> memref<576xi32, #tpu.memory_space<hbm>>
        %dma_start3A_63 = arith.constant 31232 : i32
        %dma_start3A_64 = tpu.memref_slice %arg6[%dma_start3A_63] : memref<31808xi32, #tpu.memory_space<vmem>> -> memref<576xi32, #tpu.memory_space<vmem>>
        %dma_start3A_65 = arith.constant 999424 : i32
        %dma_start3A_66 = tpu.memref_slice %arg2[%dma_start3A_65] : memref<1000000xi32, #tpu.memory_space<hbm>> -> memref<576xi32, #tpu.memory_space<hbm>>
        tpu.enqueue_dma source(%dma_start3A_66 : memref<576xi32, #tpu.memory_space<hbm>>) target(%dma_start3A_64 : memref<576xi32, #tpu.memory_space<vmem>>) target_semaphore(%run_scoped3A : memref<!tpu.dma_semaphore, #tpu.memory_space<semaphore_mem>>)
        %dma_wait3A_67 = arith.constant 31232 : i32
        %dma_wait3A_68 = tpu.memref_slice %arg6[%dma_wait3A_67] : memref<31808xi32, #tpu.memory_space<vmem>> -> memref<576xi32, #tpu.memory_space<vmem>>
        %dma_wait3A_69 = arith.constant 999424 : i32
        %dma_wait3A_70 = tpu.memref_slice %arg2[%dma_wait3A_69] : memref<1000000xi32, #tpu.memory_space<hbm>> -> memref<576xi32, #tpu.memory_space<hbm>>
        %dma_wait3A_71 = arith.constant 31232 : i32
        %dma_wait3A_72 = tpu.memref_slice %arg6[%dma_wait3A_71] : memref<31808xi32, #tpu.memory_space<vmem>> -> memref<576xi32, #tpu.memory_space<vmem>>
        %dma_wait3A_73 = arith.constant 999424 : i32
        %dma_wait3A_74 = tpu.memref_slice %arg2[%dma_wait3A_73] : memref<1000000xi32, #tpu.memory_space<hbm>> -> memref<576xi32, #tpu.memory_space<hbm>>
        tpu.wait_dma2 semaphore(%run_scoped3A : memref<!tpu.dma_semaphore, #tpu.memory_space<semaphore_mem>>) src(%dma_wait3A_74 : memref<576xi32, #tpu.memory_space<hbm>>) dst(%dma_wait3A_72 : memref<576xi32, #tpu.memory_space<vmem>>)
        tpu.yield
      }) : () -> ()
      %parallel_loop3A_56 = arith.constant 31232 : i32
      %parallel_loop3A_57 = arith.constant 31808 : i32
      %parallel_loop3A_58 = arith.constant 16 : i32
      scf.for %parallel_loop3A_59 = %parallel_loop3A_56 to %parallel_loop3A_57 step %parallel_loop3A_58  : i32 {
        %parallel_loop3A_60 = arith.index_cast %parallel_loop3A_59 : i32 to index
        %parallel_loop3A_61 = tpu.vector_load %arg6[%parallel_loop3A_60] {strides = array<i32>} : memref<31808xi32, #tpu.memory_space<vmem>>, vector<16xi32>,
        %parallel_loop3A_62 = tpu.vector_load_idx %arg5[%parallel_loop3A_61] : memref<128xf32, #tpu.memory_space<vmem>>[vector<16xi32>], vector<16xf32>,
        %parallel_loop3A_63 = arith.index_cast %parallel_loop3A_59 : i32 to index
        %parallel_loop3A_64 = tpu.vector_load %arg7[%parallel_loop3A_63] {strides = array<i32>} : memref<31808xf32, #tpu.memory_space<vmem>>, vector<16xf32>,
        tpu.vector_store %arg7[%parallel_loop3A_63], %parallel_loop3A_62 {strides = array<i32>} : memref<31808xf32, #tpu.memory_space<vmem>>, vector<16xf32>,
      } {sc.loop_unroll_factor = 8 : i64, sc.parallel_access}
      "tpu.region"() ({
        %run_scoped3A = tpu.sem_alloc : memref<!tpu.dma_semaphore, #tpu.memory_space<semaphore_mem>>
        %dma_start3A_59 = arith.constant 31232 : i32
        %dma_start3A_60 = tpu.memref_slice %arg7[%dma_start3A_59] : memref<31808xf32, #tpu.memory_space<vmem>> -> memref<576xf32, #tpu.memory_space<vmem>>
        %dma_start3A_61 = arith.constant 999424 : i32
        %dma_start3A_62 = tpu.memref_slice %arg4[%dma_start3A_61] : memref<1000000xf32, #tpu.memory_space<hbm>> -> memref<576xf32, #tpu.memory_space<hbm>>
        %dma_start3A_63 = arith.constant 999424 : i32
        %dma_start3A_64 = tpu.memref_slice %arg4[%dma_start3A_63] : memref<1000000xf32, #tpu.memory_space<hbm>> -> memref<576xf32, #tpu.memory_space<hbm>>
        %dma_start3A_65 = arith.constant 31232 : i32
        %dma_start3A_66 = tpu.memref_slice %arg7[%dma_start3A_65] : memref<31808xf32, #tpu.memory_space<vmem>> -> memref<576xf32, #tpu.memory_space<vmem>>
        tpu.enqueue_dma source(%dma_start3A_66 : memref<576xf32, #tpu.memory_space<vmem>>) target(%dma_start3A_64 : memref<576xf32, #tpu.memory_space<hbm>>) target_semaphore(%run_scoped3A : memref<!tpu.dma_semaphore, #tpu.memory_space<semaphore_mem>>)
        %dma_wait3A_67 = arith.constant 31232 : i32
        %dma_wait3A_68 = tpu.memref_slice %arg7[%dma_wait3A_67] : memref<31808xf32, #tpu.memory_space<vmem>> -> memref<576xf32, #tpu.memory_space<vmem>>
        %dma_wait3A_69 = arith.constant 999424 : i32
        %dma_wait3A_70 = tpu.memref_slice %arg4[%dma_wait3A_69] : memref<1000000xf32, #tpu.memory_space<hbm>> -> memref<576xf32, #tpu.memory_space<hbm>>
        %dma_wait3A_71 = arith.constant 999424 : i32
        %dma_wait3A_72 = tpu.memref_slice %arg4[%dma_wait3A_71] : memref<1000000xf32, #tpu.memory_space<hbm>> -> memref<576xf32, #tpu.memory_space<hbm>>
        %dma_wait3A_73 = arith.constant 31232 : i32
        %dma_wait3A_74 = tpu.memref_slice %arg7[%dma_wait3A_73] : memref<31808xf32, #tpu.memory_space<vmem>> -> memref<576xf32, #tpu.memory_space<vmem>>
        tpu.wait_dma2 semaphore(%run_scoped3A : memref<!tpu.dma_semaphore, #tpu.memory_space<semaphore_mem>>) src(%dma_wait3A_74 : memref<576xf32, #tpu.memory_space<vmem>>) dst(%dma_wait3A_72 : memref<576xf32, #tpu.memory_space<hbm>>)
        tpu.yield
      }) : () -> ()
    } else {
    }
    %dma_wait3A_50 = arith.constant 0 : i32
    %dma_wait3A_51 = tpu.memref_slice %arg7[%dma_wait3A_50] : memref<31808xf32, #tpu.memory_space<vmem>> -> memref<15616xf32, #tpu.memory_space<vmem>>
    %dma_wait3A_52 = tpu.memref_slice %arg4[%multiple_of3A] : memref<1000000xf32, #tpu.memory_space<hbm>> -> memref<15616xf32, #tpu.memory_space<hbm>>
    %dma_wait3A_53 = tpu.memref_slice %arg4[%multiple_of3A] : memref<1000000xf32, #tpu.memory_space<hbm>> -> memref<15616xf32, #tpu.memory_space<hbm>>
    %dma_wait3A_54 = arith.constant 0 : i32
    %dma_wait3A_55 = tpu.memref_slice %arg7[%dma_wait3A_54] : memref<31808xf32, #tpu.memory_space<vmem>> -> memref<15616xf32, #tpu.memory_space<vmem>>
    tpu.wait_dma2 semaphore(%arg11 : memref<!tpu.dma_semaphore, #tpu.memory_space<semaphore_mem>>) src(%dma_wait3A_55 : memref<15616xf32, #tpu.memory_space<vmem>>) dst(%dma_wait3A_53 : memref<15616xf32, #tpu.memory_space<hbm>>)
    return
  }
}

</mosaic_0001>

<sc_bundles>
// kernel: kernel.3.cloned.1.call-start
scs
__scs_entry_jumppad:
0x0: {  	(pc) =	sbr.rel $0x88, $3  }
0x1: {  	(tag) =	ssettag $0x0;
	lr =	simm.s32 $0x1  }
0x2: {  	[smem:$0x3F9E] =	sst lr;
	_ =	strace $0xD0000000  }
0x3: {  	_ = 	snop  }
0x4: {  	_ = 	snop  }
0x5: {  	_ = 	snop  }
0x6: {  	_ = 	snop  }
0x7: {  	_ = 	snop  }
__scs_overlays_trampoline_lowered:
0x8: {  	[smem:$0x3FAD] =	sst s0  }
0x9: {  	[smem:$0x3FAE] =	sst s1  }
0xa: {  	[smem:$0x3FAF] =	sst s2  }
0xb: {  	[smem:$0x3FB0] =	sst s3  }
0xc: {  	[smem:$0x3FB1] =	sst s4  }
0xd: {  	[smem:$0x3FB2] =	sst s5  }
0xe: {  	[smem:$0x3FB3] =	sst s6  }
0xf: {  	[smem:$0x3FB4] =	sst s7  }
0x10: {  	[smem:$0x3FB5] =	sst s8  }
0x11: {  	[smem:$0x3FB6] =	sst s9;
	s0 =	simm.s32 @!p0 $0x0  }
0x12: {  	s1 =	sld [smem:$0x3F9C];
	s0 =	simm.s32 @p0 $0x1  }
0x13: {  	[smem:$0x3FB7] =	sst s0;
	s0 =	simm.s32 @!p1 $0x0  }
0x14: {  	s2 =	sld [smem:$0x3F9B];
	s0 =	simm.s32 @p1 $0x1  }
0x15: {  	[smem:$0x3FB8] =	sst s0;
	s0 =	simm.s32 @!p2 $0x0  }
0x16: {  	s3 =	sld [smem:$0x3FDB];
	s0 =	simm.s32 @p2 $0x1  }
0x17: {  	s4 =	simm.s32 $0x1BF5;
	[smem:$0x3FBA] =	sst s0  }
0x18: {  	s0 =	sld [smem:$0x3F9D];
	_ =	swait.ge [sflag:s4], $0x0  }
0x19: {  	s7 =	sld [smem:$0x3F9E]  }
0x1a: {  	s8 =	sadd.s32 $0xFFFFE003, lr  }
0x1b: {  	s9 =	sadd.s32 $0xFFFFFEF7, lr;
	s5 =	simm.s32 $0xFFFFFFFF;
	p2 =	slt.u32 s8, $0xFFFFF086  }
0x1c: {  	p1 =	slt.u32 s9, $0xF7A;
	s5 =	simm.s32 @!p2 $0x0  }
0x1d: {  	s5 =	simm.s32 @p1 $0x1;
	p0 =	seq.s32 s7, s2  }
0x1e: {  	s7 =	smul.u32 @!p0 $0xF7A, s2;
	p2 =	seq.s32 @!p0 s5, $0x0  }
0x1f: {  	s9 =	smul.u32 $0xF7A, s1;
	s8 =	simm.s32 @!p0 $0x1BF5;
	p2 =	por !p2, p0  }
0x20: {  	[sflag:s8] =	ssyncset.s32 @!p0 $0xFFFFF086;
	s6 =	sadd.s32 @!p0 s3, s7;
	s7 =	simm.s32 @!p0 $0x108  }
0x21: {  	s3 =	sadd.s32 s3, s9;
	s6 =	sadd.s32 @!p0 $0x88, s6;
	s7 =	simm.s32 @p2 $0x1082  }
0x22: {  	[simem:s7], [sflag:s8] =	dma.local @!p0 [hbm:s6], $0xF7A  }
0x23: {  	s9 =	sor.u32 $0xD0000000, s2;
	s6 =	simm.s32 $0x108;
	_ =	swait.ge @!p0 [sflag:s8], $0x0  }
0x24: {  	s3 =	sadd.s32 $0x88, s3;
	s6 =	simm.s32 @!p1 $0x1082;
	[sflag:s4] =	ssyncset.s32 $0xFFFFF086  }
0x25: {  	[simem:s6], [sflag:s4] =	dma.local [hbm:s3], $0xF7A  }
0x26: {  	[smem:$0x3F9E] =	sst s1;
	(tag) =	ssettag s2;
	_ =	strace s9  }
0x27: {  	s1 =	sld [smem:$0x3FAE]  }
0x28: {  	s2 =	sld [smem:$0x3FAF]  }
0x29: {  	s4 =	sld [smem:$0x3FB1]  }
0x2a: {  	p0 =	seq.s32 s5, $0x0;
	s5 =	sld [smem:$0x3FB2]  }
0x2b: {  	s6 =	sld [smem:$0x3FB3]  }
0x2c: {  	s7 =	sld [smem:$0x3FB4]  }
0x2d: {  	s3 =	simm.s32 $0x108;
	s8 =	sld [smem:$0x3FB5]  }
0x2e: {  	s3 =	simm.s32 @!p0 $0x1082;
	s9 =	sld [smem:$0x3FB6]  }
0x2f: {  	lr =	sadd.s32 s0, s3;
	s0 =	sld [smem:$0x3FAD]  }
0x30: {  	s3 =	sld [smem:$0x3FB0]  }
0x31: {  	[smem:$0x3FB9] =	sst s10  }
0x32: {  	s10 =	sld [smem:$0x3FB7];
	_ =	sdelay $0x3  }
0x33: {  	p0 =	seq.s32 s10, $0x1;
	s10 =	sld [smem:$0x3FB9];
	_ =	sdelay $0x3  }
0x34: {  	[smem:$0x3FB9] =	sst s10  }
0x35: {  	s10 =	sld [smem:$0x3FB8];
	_ =	sdelay $0x3  }
0x36: {  	p1 =	seq.s32 s10, $0x1;
	s10 =	sld [smem:$0x3FB9];
	_ =	sdelay $0x3  }
0x37: {  	[smem:$0x3FB9] =	sst s10  }
0x38: {  	s10 =	sld [smem:$0x3FBA]  }
0x39: {  	_ = 	snop;
	(pc) =	sbr.ind lr, $3  }
0x3a: {  	_ = 	snop  }
0x3b: {  	_ = 	snop  }
0x3c: {  	p2 =	seq.s32 s10, $0x1;
	s10 =	sld [smem:$0x3FB9]  }
0x3d: {  	_ =	shalt  }
0x3e: {  	_ =	shalt  }
0x3f: {  	_ =	shalt  }
0x40: {  	_ =	shalt  }
0x41: {  	_ =	shalt  }
0x42: {  	_ =	shalt  }
0x43: {  	_ =	shalt  }
0x44: {  	_ =	shalt  }
0x45: {  	_ =	shalt  }
0x46: {  	_ =	shalt  }
0x47: {  	_ =	shalt  }
0x48: {  	_ =	shalt  }
0x49: {  	_ =	shalt  }
0x4a: {  	_ =	shalt  }
0x4b: {  	_ =	shalt  }
0x4c: {  	_ =	shalt  }
0x4d: {  	_ =	shalt  }
0x4e: {  	_ =	shalt  }
0x4f: {  	_ =	shalt  }
0x50: {  	_ =	shalt  }
0x51: {  	_ =	shalt  }
0x52: {  	_ =	shalt  }
0x53: {  	_ =	shalt  }
0x54: {  	_ =	shalt  }
0x55: {  	_ =	shalt  }
0x56: {  	_ =	shalt  }
0x57: {  	_ =	shalt  }
0x58: {  	_ =	shalt  }
0x59: {  	_ =	shalt  }
0x5a: {  	_ =	shalt  }
0x5b: {  	_ =	shalt  }
0x5c: {  	_ =	shalt  }
0x5d: {  	_ =	shalt  }
0x5e: {  	_ =	shalt  }
0x5f: {  	_ =	shalt  }
0x60: {  	_ =	shalt  }
0x61: {  	_ =	shalt  }
0x62: {  	_ =	shalt  }
0x63: {  	_ =	shalt  }
0x64: {  	_ =	shalt  }
0x65: {  	_ =	shalt  }
0x66: {  	_ =	shalt  }
0x67: {  	_ =	shalt  }
0x68: {  	_ =	shalt  }
0x69: {  	_ =	shalt  }
0x6a: {  	_ =	shalt  }
0x6b: {  	_ =	shalt  }
0x6c: {  	_ =	shalt  }
0x6d: {  	_ =	shalt  }
0x6e: {  	_ =	shalt  }
0x6f: {  	_ =	shalt  }
0x70: {  	_ =	shalt  }
0x71: {  	_ =	shalt  }
0x72: {  	_ =	shalt  }
0x73: {  	_ =	shalt  }
0x74: {  	_ =	shalt  }
0x75: {  	_ =	shalt  }
0x76: {  	_ =	shalt  }
0x77: {  	_ =	shalt  }
0x78: {  	_ =	shalt  }
0x79: {  	_ =	shalt  }
0x7a: {  	_ =	shalt  }
0x7b: {  	_ =	shalt  }
0x7c: {  	_ =	shalt  }
0x7d: {  	_ =	shalt  }
0x7e: {  	_ =	shalt  }
0x7f: {  	_ =	shalt  }
0x80: {  	_ =	shalt  }
0x81: {  	_ =	shalt  }
0x82: {  	_ =	shalt  }
0x83: {  	_ =	shalt  }
0x84: {  	_ =	shalt  }
0x85: {  	_ =	shalt  }
0x86: {  	_ =	shalt  }
0x87: {  	_ =	shalt  }
.Lfunc_end0:
.L_simem_size_0:
called_computation_lowered:
.L_overlay_start_0:
0x88: {  	s2 =	sld [smem:$0x3FD9]  }
0x89: {  	s3 =	sld [smem:$0x3FFE];
	_ =	sdelay $0x1  }
0x8a: {  	s1 =	srdreg.scid  }
0x8b: {  	s0 =	sand.u32 $0x1, s1  }
0x8c: {  	s17 =	sshll.u32 s0, $0xA;
	s2 =	sadd.s32 s3, s2  }
0x8d: {  	s2 =	sadd.s32 s2, s17  }
0x8e: {  	[smem:$0x3FC5] =	sst s2  }
0x8f: {  	_ = 	snop  }
0x90: {  	s2 =	sld [smem:$0x3FC8]  }
0x91: {  	s18 =	sld [smem:$0x3FC7];
	(tm) =	ssettm $0x1  }
0x92: {  	s4 =	sld [smem:$0x3FFB];
	_ =	sdelay $0x3  }
0x93: {  	_ =	strace s4  }
0x94: {  	s4 =	sld [smem:$0x3FFC];
	_ =	sdelay $0x3  }
0x95: {  	_ =	strace s4  }
0x96: {  	s4 =	sld [smem:$0x3FFD];
	_ =	sdelay $0x3  }
0x97: {  	_ =	strace s4  }
0x98: {  	_ =	strace $0x8FFFFFFF  }
0x99: {  	s19 =	sld [smem:$0x3FDB];
	_ =	sdelay $0x1  }
0x9a: {  	s5 =	simm.s32 $_scs_section_size  }
0x9b: {  	s6 =	simm.s32 $_size__tile_overlayer_lowered;
	s7 =	simm.s32 $_tile_overlayer_lowered  }
0x9c: {  	s22 =	simm.s32 $0x1BFF;
	s21 =	sshll.u32 s7, $0x1;
	s4 =	sadd.s32 s5, s19  }
0x9d: {  	s8 =	simm.s32 $0x0;
	s20 =	sshll.u32 s6, $0x1;
	s6 =	sadd.s32 s21, s4  }
0x9e: {  	[timem:s8], [sflag:s22] =	dma.local [hbm:s6], s20  }
0x9f: {  	_ =	swait.ge [sflag:s22], s20  }
0xa0: {  	s5 =	ssub.s32 $0x0, s20;
	[sflag:s22] =	ssyncset.done $0x0  }
0xa1: {  	[sflag:s22] =	ssyncadd.s32 s5;
	_ =	sdelay $0x1  }
0xa2: {  	s23 =	simm.s32 $0x1B8B  }
0xa3: {  	_ =	swait.ge [sflag:s23], $0x1  }
0xa4: {  	[sflag:s23] =	ssyncset.done $0x0  }
0xa5: {  	s25 =	simm.s32 $0x1B8E;
	s24 =	sld [smem:$0x3FFE];
	[sflag:s23] =	ssyncadd.s32 $0xFFFFFFFF  }
0xa6: {  	s26 =	simm.s32 $execute0_lowered;
	[smem:$0x3FD2] =	sst s25  }
0xa7: {  	s6 =	sshll.u32 s26, $0x1;
	_ =	strace $0x80000046;
	[dreg:$0x1] =	wrdreg $0xFFFFFFFF  }
0xa8: {  	s28 =	simm.s32 $_size_execute0_lowered;
	s4 =	sadd.s32 s4, s6;
	[dreg:$0x0] =	wrdreg $0x0  }
0xa9: {  	s6 =	sshll.u32 s28, $0x1;
	[dreg:$0x2] =	wrdreg s4  }
0xaa: {  	[dreg:$0x3] =	wrdreg s6  }
0xab: {  	[dreg:$0x4] =	wrdreg $0xC0  }
0xac: {  	_ =	task [dreg:s8], $0x5FFFF  }
0xad: {  	[dreg:$0x1] =	wrdreg $0xFFFFFFFF  }
0xae: {  	[dreg:$0x0] =	wrdreg $0x60  }
0xaf: {  	[dreg:$0x2] =	wrdreg s2  }
0xb0: {  	[dreg:$0x3] =	wrdreg s18  }
0xb1: {  	[dreg:$0x4] =	wrdreg s24  }
0xb2: {  	[dreg:$0x5] =	wrdreg $0x9  }
0xb3: {  	_ =	task.clear_ibuf [dreg:s8], $0x6FFFF;
	_ =	strace $0x90000046  }
0xb4: {  	s29 =	simm.s32 $0x9;
	_ =	strace $0x80000048  }
0xb5: {  	_ =	swait.ge [sflag:s29], $0x1  }
0xb6: {  	[sflag:s29] =	ssyncadd.s32 $0xFFFFFFFF  }
0xb7: {  	_ =	strace $0x90000048  }
0xb8: {  	_ =	sfence  }
0xb9: {  	s30 =	sld [smem:$0x0];
	_ =	sdelay $0x2  }
0xba: {  	s31 =	sshll.u32 s1, $0xD;
	s1 =	sshrl.u32 s1, $0x2  }
0xbb: {  	s3 =	sand.u32 $0x4000, s31;
	s1 =	sadd.s32 s1, s30  }
0xbc: {  	s0 =	sor.u32 s3, s0;
	s1 =	sshll.u32 s1, $0x11  }
0xbd: {  	s0 =	sor.u32 s1, s0  }
0xbe: {  	s0 =	sadd.s32 $0x8F2B, s0  }
0xbf: {  	[sflag:s0] =	ssyncadd.remote.s32 $0x1  }
0xc0: {  	_ =	sfence.sel $0xFFFF  }
0xc1: {  	[dreg:$0x0] =	wrdreg $0xFFFFFFFF;
	(pc) =	sbr.abs _section_cstart, $3  }
0xc2: {  	[dreg:$0x1] =	wrdreg $0xFFFFFFFF  }
0xc3: {  	_ =	task.clear_ibuf [dreg:s8], $0x2FFFF;
	_ =	strace $0x9FFFFFFF  }
0xc4: {  	(tm) =	ssettm $0x7FFFFFFF  }
0xc5: {  	_ =	shalt  }
tec
execute0_lowered:
.L_overlay_start_1:
0x0: {  	(tag) =	ssettag $0x1  }
0x1: {  	s8 =	rddreg [dreg:$0x0];
	s1 =	srdreg.scid  }
0x2: {  	s0 =	stileid.u32;
	s2 =	rddreg [dreg:$0x1]  }
0x3: {  	s9 =	rddreg [dreg:$0x2];
	s3 =	simm.s32 $0x0;
	s12 =	simm.s32 $0x3D80  }
0x4: {  	s13 =	simm.s32 $0x1;
	s14 =	simm.s32 $0x2;
	s15 =	simm.s32 $0x7D00  }
0x5: {  	s16 =	simm.s32 $0x3;
	s18 =	simm.s32 $0x5;
	s19 =	simm.s32 $0x7A80  }
0x6: {  	s20 =	simm.s32 $0xF700;
	s21 =	simm.s32 $0x4;
	s22 =	simm.s32 $0x0  }
0x7: {  	s4 =	sand.u32 $0x1, s1;
	s30 =	sshll.u32 s0, $0x1;
	s1 =	rddreg [dreg:$0x3]  }
0x8: {  	[smem:$0x7FF] =	sst s3;
	s7 =	sadd.s32 $0x600, s9;
	s17 =	sor.u32 s4, s30  }
0x9: {  	s9 =	sadd.s32 $0x1EE00, s9;
	s4 =	ssub.s32 $0x2, s4;
	s5 =	smul.u32 $0x7A00, s17  }
.Ltmp0:
0xa: {  	_ =	strace $0x80000047;
	s31 =	sshrl.u32 s4, $0x1;
	(pc) =	sbr.rel .LBB2_1-.Ltmp0, $4  }
0xb: {  	p0 =	sne.s32 s17, $0x1F;
	s17 =	simm.s32 $0xBA00;
	s6 =	sshrl.u32 s5, $0x3  }
0xc: {  	s11 =	ssub.s32 s4, s31;
	s10 =	sadd.s32 $0x7A0, s6;
	s4 =	sadd.s32 s8, s6  }
0xd: {  	s6 =	sadd.s32 s7, s6;
	s5 =	sadd.s32 s8, s10;
	s7 =	sadd.s32 s7, s10  }
0xe: {  	s8 =	sadd.s32 $0x1E800, s8;
	s10 =	smax.u32 s11, $0x1;
	s11 =	simm.s32 $0x80  }
.LBB2_11:
0xf: {  	s22 =	sadd.s32 $0x1, s22  }
0x10: {  	p1 =	sne.s32 s22, s10  }
.Ltmp1:
0x11: {  	_ = 	snop;
	(pc) =	sbr.rel @!p1 .LBB2_12-.Ltmp1, $4  }
0x12: {  	_ = 	snop  }
0x13: {  	_ =	swait.ge [sflag:s21], $0x3D00  }
0x14: {  	[sflag:s21] =	ssyncset.done $0x0  }
0x15: {  	[sflag:s21] =	ssyncadd.s32 $0xFFFFC300  }
.LBB2_1:
0x16: {  	[tilespmem:s3], [sflag:$0x1] =	stream.linear.gather [hbm4b:s2+s3], $0x64, $0x38;
	[tilespmem:$0xF980] =	vst v63  }
0x17: {  	_ = 	snop  }
0x18: {  	[tilespmem:s11], [sflag:$0x2] =	stream.linear.gather [hbm4b:s4+s3], $0x3D00, $0x38;
	[tilespmem:$0xF980] =	vst v63  }
0x19: {  	_ = 	snop  }
0x1a: {  	[tilespmem:s12], [sflag:$0x3] =	stream.linear.gather [hbm4b:s5+s3], $0x3D00, $0x38;
	[tilespmem:$0xF980] =	vst v63  }
0x1b: {  	_ =	swait.ge [sflag:s13], $0x64  }
0x1c: {  	[sflag:s13] =	ssyncset.done $0x0  }
0x1d: {  	[sflag:s13] =	ssyncadd.s32 $0xFFFFFF9C  }
0x1e: {  	_ =	swait.ge [sflag:s14], $0x3D00  }
0x1f: {  	[sflag:s14] =	ssyncset.done $0x0  }
0x20: {  	s23 =	simm.s32 $0xC0;
	[sflag:s14] =	ssyncadd.s32 $0xFFFFC300  }
0x21: {  	v0 =	vld [tilespmem:s23+$0x30]  }
0x22: {  	v1 =	vld [tilespmem:s23+$0xFFFFFFD0]  }
0x23: {  	v2 =	vld [tilespmem:s23+$0xFFFFFFE0]  }
0x24: {  	v3 =	vld [tilespmem:s23+$0xFFFFFFF0]  }
0x25: {  	v4 =	vld [tilespmem:s23+$0x0]  }
0x26: {  	v6 =	vld [tilespmem:s23+$0x10]  }
0x27: {  	v7 =	vld [tilespmem:s23+$0x20]  }
0x28: {  	v8 =	vld [tilespmem:s23+$0xFFFFFFC0]  }
0x29: {  	v9 =	vld.idx.msk [tilespmem:v0+s3+$0x0], $0xffff  }
0x2a: {  	v10 =	vld.idx.msk [tilespmem:v1+s3+$0x0], $0xffff  }
0x2b: {  	v5 =	vld.idx.msk [tilespmem:v2+s3+$0x0], $0xffff  }
0x2c: {  	v3 =	vld.idx.msk [tilespmem:v3+s3+$0x0], $0xffff  }
0x2d: {  	v0 =	vld.idx.msk [tilespmem:v4+s3+$0x0], $0xffff  }
0x2e: {  	s23 =	simm.s32 $0x7D40;
	v1 =	vld.idx.msk [tilespmem:v6+s3+$0x0], $0xffff  }
0x2f: {  	v2 =	vld.idx.msk [tilespmem:v7+s3+$0x0], $0xffff;
	[tilespmem:s23+$0x30] =	vst v9  }
0x30: {  	s24 =	simm.s32 $0x0;
	s25 =	simm.s32 $0x140;
	v4 =	vld.idx.msk [tilespmem:v8+s3+$0x0], $0xffff;
	[tilespmem:s23+$0xFFFFFFD0] =	vst v10  }
.LBB2_2:
0x31: {  	v6 =	vld [tilespmem:s25+$0x30];
	s24 =	sadd.s32 $0x80, s24;
	[tilespmem:s23+$0xFFFFFFE0] =	vst v5  }
0x32: {  	v5 =	vld [tilespmem:s25+$0xFFFFFFD0];
	p1 =	slt.u32 s24, $0x3C80;
	[tilespmem:s23+$0xFFFFFFF0] =	vst v3  }
0x33: {  	v3 =	vld [tilespmem:s25+$0xFFFFFFE0];
	[tilespmem:s23+$0x0] =	vst v0  }
0x34: {  	v0 =	vld [tilespmem:s25+$0xFFFFFFF0];
	[tilespmem:s23+$0x10] =	vst v1  }
0x35: {  	v1 =	vld [tilespmem:s25+$0x0];
	[tilespmem:s23+$0x20] =	vst v2  }
0x36: {  	v2 =	vld [tilespmem:s25+$0x10];
	[tilespmem:s23+$0xFFFFFFC0] =	vst v4  }
0x37: {  	v4 =	vld [tilespmem:s25+$0x20]  }
0x38: {  	v7 =	vld [tilespmem:s25+$0xFFFFFFC0]  }
0x39: {  	v6 =	vld.idx.msk [tilespmem:v6+s3+$0x0], $0xffff  }
0x3a: {  	v8 =	vld.idx.msk [tilespmem:v5+s3+$0x0], $0xffff  }
0x3b: {  	v5 =	vld.idx.msk [tilespmem:v3+s3+$0x0], $0xffff  }
.Ltmp2:
0x3c: {  	v3 =	vld.idx.msk [tilespmem:v0+s3+$0x0], $0xffff;
	(pc) =	sbr.rel @p1 .LBB2_2-.Ltmp2, $4  }
0x3d: {  	v0 =	vld.idx.msk [tilespmem:v1+s3+$0x0], $0xffff  }
0x3e: {  	s23 =	sadd.s32 $0x80, s23;
	v1 =	vld.idx.msk [tilespmem:v2+s3+$0x0], $0xffff  }
0x3f: {  	v2 =	vld.idx.msk [tilespmem:v4+s3+$0x0], $0xffff;
	[tilespmem:s23+$0x30] =	vst v6  }
0x40: {  	s25 =	sadd.s32 $0x80, s25;
	v4 =	vld.idx.msk [tilespmem:v7+s3+$0x0], $0xffff;
	[tilespmem:s23+$0xFFFFFFD0] =	vst v8  }
0x41: {  	[tilespmem:s23+$0xFFFFFFE0] =	vst v5  }
0x42: {  	[tilespmem:s23+$0xFFFFFFF0] =	vst v3  }
0x43: {  	[tilespmem:s23+$0x0] =	vst v0  }
0x44: {  	[tilespmem:s23+$0x10] =	vst v1  }
0x45: {  	[tilespmem:s23+$0x20] =	vst v2  }
0x46: {  	[tilespmem:s23+$0xFFFFFFC0] =	vst v4  }
0x47: {  	[hbm4b:s6+s3] =	stream.linear.scatter [tilespmem:s15], [sflag:$0x4], $0x3D00, $0x38;
	[tilespmem:$0xF980] =	vst v63  }
0x48: {  	_ =	swait.ge [sflag:s16], $0x3D00  }
0x49: {  	[sflag:s16] =	ssyncset.done $0x0  }
0x4a: {  	s31 =	simm.s32 $0x3DF0;
	[sflag:s16] =	ssyncadd.s32 $0xFFFFC300  }
0x4b: {  	v0 =	vld [tilespmem:s31+$0x0]  }
0x4c: {  	v1 =	vld [tilespmem:s31+$0xFFFFFFA0]  }
0x4d: {  	v2 =	vld [tilespmem:s31+$0xFFFFFFB0]  }
0x4e: {  	v3 =	vld [tilespmem:s31+$0xFFFFFFC0]  }
0x4f: {  	v4 =	vld [tilespmem:s31+$0xFFFFFFD0]  }
0x50: {  	v6 =	vld [tilespmem:s31+$0xFFFFFFE0]  }
0x51: {  	v7 =	vld [tilespmem:s31+$0xFFFFFFF0]  }
0x52: {  	v8 =	vld [tilespmem:s31+$0xFFFFFF90]  }
0x53: {  	v9 =	vld.idx.msk [tilespmem:v0+s3+$0x0], $0xffff  }
0x54: {  	v10 =	vld.idx.msk [tilespmem:v1+s3+$0x0], $0xffff  }
0x55: {  	v5 =	vld.idx.msk [tilespmem:v2+s3+$0x0], $0xffff  }
0x56: {  	v3 =	vld.idx.msk [tilespmem:v3+s3+$0x0], $0xffff  }
0x57: {  	v0 =	vld.idx.msk [tilespmem:v4+s3+$0x0], $0xffff  }
0x58: {  	s23 =	simm.s32 $0xBA70;
	v1 =	vld.idx.msk [tilespmem:v6+s3+$0x0], $0xffff  }
0x59: {  	v2 =	vld.idx.msk [tilespmem:v7+s3+$0x0], $0xffff;
	[tilespmem:s23+$0x0] =	vst v9  }
0x5a: {  	s24 =	simm.s32 $0x3D00;
	s25 =	simm.s32 $0x3E70;
	v4 =	vld.idx.msk [tilespmem:v8+s3+$0x0], $0xffff;
	[tilespmem:s23+$0xFFFFFFA0] =	vst v10  }
.LBB2_4:
0x5b: {  	v6 =	vld [tilespmem:s25+$0x0];
	s24 =	sadd.s32 $0x80, s24;
	[tilespmem:s23+$0xFFFFFFB0] =	vst v5  }
0x5c: {  	v5 =	vld [tilespmem:s25+$0xFFFFFFA0];
	p1 =	slt.u32 s24, $0x7980;
	[tilespmem:s23+$0xFFFFFFC0] =	vst v3  }
0x5d: {  	v3 =	vld [tilespmem:s25+$0xFFFFFFB0];
	[tilespmem:s23+$0xFFFFFFD0] =	vst v0  }
0x5e: {  	v0 =	vld [tilespmem:s25+$0xFFFFFFC0];
	[tilespmem:s23+$0xFFFFFFE0] =	vst v1  }
0x5f: {  	v1 =	vld [tilespmem:s25+$0xFFFFFFD0];
	[tilespmem:s23+$0xFFFFFFF0] =	vst v2  }
0x60: {  	v2 =	vld [tilespmem:s25+$0xFFFFFFE0];
	[tilespmem:s23+$0xFFFFFF90] =	vst v4  }
0x61: {  	v4 =	vld [tilespmem:s25+$0xFFFFFFF0]  }
0x62: {  	v7 =	vld [tilespmem:s25+$0xFFFFFF90]  }
0x63: {  	v6 =	vld.idx.msk [tilespmem:v6+s3+$0x0], $0xffff  }
0x64: {  	v8 =	vld.idx.msk [tilespmem:v5+s3+$0x0], $0xffff  }
0x65: {  	v5 =	vld.idx.msk [tilespmem:v3+s3+$0x0], $0xffff  }
.Ltmp3:
0x66: {  	v3 =	vld.idx.msk [tilespmem:v0+s3+$0x0], $0xffff;
	(pc) =	sbr.rel @p1 .LBB2_4-.Ltmp3, $4  }
0x67: {  	v0 =	vld.idx.msk [tilespmem:v1+s3+$0x0], $0xffff  }
0x68: {  	s23 =	sadd.s32 $0x80, s23;
	v1 =	vld.idx.msk [tilespmem:v2+s3+$0x0], $0xffff  }
0x69: {  	v2 =	vld.idx.msk [tilespmem:v4+s3+$0x0], $0xffff;
	[tilespmem:s23+$0x0] =	vst v6  }
0x6a: {  	s25 =	sadd.s32 $0x80, s25;
	v4 =	vld.idx.msk [tilespmem:v7+s3+$0x0], $0xffff;
	[tilespmem:s23+$0xFFFFFFA0] =	vst v8  }
0x6b: {  	[tilespmem:s23+$0xFFFFFFB0] =	vst v5  }
0x6c: {  	[tilespmem:s23+$0xFFFFFFC0] =	vst v3  }
0x6d: {  	[tilespmem:s23+$0xFFFFFFD0] =	vst v0  }
0x6e: {  	[tilespmem:s23+$0xFFFFFFE0] =	vst v1  }
0x6f: {  	[tilespmem:s23+$0xFFFFFFF0] =	vst v2  }
.Ltmp4:
0x70: {  	[tilespmem:s23+$0xFFFFFF90] =	vst v4;
	(pc) =	sbr.rel @p0 .LBB2_11-.Ltmp4, $4  }
0x71: {  	[hbm4b:s7+s3] =	stream.linear.scatter [tilespmem:s17], [sflag:$0x5], $0x3D00, $0x38;
	[tilespmem:$0xF980] =	vst v63  }
0x72: {  	_ =	swait.ge [sflag:s18], $0x3D00  }
0x73: {  	[sflag:s18] =	ssyncset.done $0x0  }
0x74: {  	[sflag:s18] =	ssyncadd.s32 $0xFFFFC300  }
0x75: {  	s23 =	simm.s32 $0x0  }
0x76: {  	[tilespmem:s19], [sflag:$0x5] =	stream.linear.gather [hbm4b:s8+s23], $0x240, $0x38;
	[tilespmem:$0xF980] =	vst v63  }
0x77: {  	_ =	swait.ge [sflag:s18], $0x240  }
0x78: {  	[sflag:s18] =	ssyncset.done $0x0  }
0x79: {  	s23 =	simm.s32 $0x0;
	[sflag:s18] =	ssyncadd.s32 $0xFFFFFDC0  }
0x7a: {  	v1 =	vld [tilespmem:s23+$0x7AF0]  }
0x7b: {  	v2 =	vld [tilespmem:s23+$0x7A80]  }
0x7c: {  	v3 =	vld [tilespmem:s23+$0x7A90]  }
0x7d: {  	v4 =	vld [tilespmem:s23+$0x7AA0]  }
0x7e: {  	v7 =	vld [tilespmem:s23+$0x7AB0]  }
0x7f: {  	v8 =	vld [tilespmem:s23+$0x7AC0]  }
0x80: {  	v9 =	vld [tilespmem:s23+$0x7AD0]  }
0x81: {  	v0 =	vld [tilespmem:s23+$0x7AE0]  }
0x82: {  	v10 =	vld.idx.msk [tilespmem:v1+s3+$0x0], $0xffff  }
0x83: {  	v6 =	vld.idx.msk [tilespmem:v2+s3+$0x0], $0xffff  }
0x84: {  	v5 =	vld.idx.msk [tilespmem:v3+s3+$0x0], $0xffff  }
0x85: {  	v4 =	vld.idx.msk [tilespmem:v4+s3+$0x0], $0xffff  }
0x86: {  	v1 =	vld.idx.msk [tilespmem:v7+s3+$0x0], $0xffff  }
0x87: {  	s28 =	simm.s32 $0x7A00;
	s24 =	simm.s32 $0x7C80;
	v2 =	vld.idx.msk [tilespmem:v8+s3+$0x0], $0xffff  }
0x88: {  	s29 =	simm.s32 $0x200;
	s25 =	simm.s32 $0x7BF0;
	s26 =	simm.s32 $0xF900;
	v3 =	vld.idx.msk [tilespmem:v9+s3+$0x0], $0xffff;
	[tilespmem:s23+$0xF770] =	vst v10  }
.LBB2_7:
0x89: {  	s30 =	sshra.s32 s29, $0x2;
	s28 =	sadd.s32 $0x80, s28;
	[tilespmem:s23+$0xF700] =	vst v6;
	v0 =	vld.idx.msk [tilespmem:v0+s3+$0x0], $0xffff  }
0x8a: {  	v6 =	vld [tilespmem:s30+$0x7AF0];
	p1 =	slt.u32 s28, $0x7B80;
	[tilespmem:s23+$0xF710] =	vst v5  }
0x8b: {  	v5 =	vld [tilespmem:s30+$0x7A80];
	[tilespmem:s23+$0xF720] =	vst v4  }
0x8c: {  	v4 =	vld [tilespmem:s30+$0x7A90];
	[tilespmem:s23+$0xF730] =	vst v1  }
0x8d: {  	v1 =	vld [tilespmem:s30+$0x7AA0];
	[tilespmem:s23+$0xF740] =	vst v2  }
0x8e: {  	v2 =	vld [tilespmem:s30+$0x7AB0];
	[tilespmem:s23+$0xF750] =	vst v3  }
0x8f: {  	v3 =	vld [tilespmem:s30+$0x7AC0];
	[tilespmem:s23+$0xF760] =	vst v0;
	s23 =	smov.u32 s30  }
0x90: {  	v7 =	vld [tilespmem:s23+$0x7AD0]  }
0x91: {  	v0 =	vld [tilespmem:s23+$0x7AE0]  }
0x92: {  	v8 =	vld.idx.msk [tilespmem:v6+s3+$0x0], $0xffff  }
0x93: {  	v6 =	vld.idx.msk [tilespmem:v5+s3+$0x0], $0xffff  }
.Ltmp5:
0x94: {  	v5 =	vld.idx.msk [tilespmem:v4+s3+$0x0], $0xffff;
	(pc) =	sbr.rel @p1 .LBB2_7-.Ltmp5, $4  }
0x95: {  	v4 =	vld.idx.msk [tilespmem:v1+s3+$0x0], $0xffff  }
0x96: {  	v1 =	vld.idx.msk [tilespmem:v2+s3+$0x0], $0xffff  }
0x97: {  	v2 =	vld.idx.msk [tilespmem:v3+s3+$0x0], $0xffff  }
0x98: {  	s29 =	sadd.s32 $0x200, s29;
	v3 =	vld.idx.msk [tilespmem:v7+s3+$0x0], $0xffff;
	[tilespmem:s23+$0xF770] =	vst v8  }
0x99: {  	_ =	sdelay $0x2  }
0x9a: {  	[tilespmem:s23+$0xF700] =	vst v6  }
0x9b: {  	v0 =	vld.idx.msk [tilespmem:v0+s3+$0x0], $0xffff;
	[tilespmem:s23+$0xF710] =	vst v5  }
0x9c: {  	[tilespmem:s23+$0xF720] =	vst v4  }
0x9d: {  	[tilespmem:s23+$0xF730] =	vst v1  }
0x9e: {  	[tilespmem:s23+$0xF740] =	vst v2  }
0x9f: {  	[tilespmem:s23+$0xF750] =	vst v3  }
0xa0: {  	[tilespmem:s23+$0xF760] =	vst v0  }
.LBB2_9:
0xa1: {  	v0 =	vld [tilespmem:s24+$0x0];
	_ =	sdelay $0x6  }
0xa2: {  	s25 =	sadd.s32 $0x10, s25  }
0xa3: {  	p1 =	slt.u32 s25, $0x7C30;
	v0 =	vld.idx.msk [tilespmem:v0+s3+$0x0], $0xffff  }
.Ltmp6:
0xa4: {  	_ = 	snop;
	(pc) =	sbr.rel @p1 .LBB2_9-.Ltmp6, $2  }
0xa5: {  	_ =	sdelay $0x2  }
0xa6: {  	s24 =	sadd.s32 $0x10, s24;
	[tilespmem:s26+$0x0] =	vst v0;
	s26 =	sadd.s32 $0x10, s26  }
.Ltmp7:
0xa7: {  	(pc) =	sbr.rel .LBB2_11-.Ltmp7, $4  }
0xa8: {  	[hbm4b:s9+s3] =	stream.linear.scatter [tilespmem:s20], [sflag:$0x5], $0x240, $0x38;
	[tilespmem:$0xF980] =	vst v63  }
0xa9: {  	_ =	swait.ge [sflag:s18], $0x240  }
0xaa: {  	[sflag:s18] =	ssyncset.done $0x0  }
0xab: {  	[sflag:s18] =	ssyncadd.s32 $0xFFFFFDC0  }
.LBB2_12:
0xac: {  	_ =	sfence.sel $0x180000  }
0xad: {  	[bflag:$0x0] =	sbarrier.arrive $0xFFFF  }
0xae: {  	p0 =	sne.s32 s0, $0x0;
	_ =	strace $0x90000047  }
0xaf: {  	s0 =	sadd.s32 @!p0 $0x100000, s1;
	[bflag:$0x2] =	sbarrier.arrive $0xFFFF  }
0xb0: {  	[sflag:s0] =	ssyncadd.tile.s32 @!p0 $0x1;
	_ =	shalt  }
.Lfunc_end2:
_tile_overlayer_lowered:
.L_overlay_start_2:
0xb1: {  	(tag) =	ssettag $0x2  }
0xb2: {  	s0 =	rddreg [dreg:$0x0];
	s2 =	stileid.u32  }
0xb3: {  	s1 =	rddreg [dreg:$0x1];
	p0 =	sne.s32 s2, $0x0  }
0xb4: {  	s3 =	rddreg [dreg:$0x2];
	[bflag:$0x3] =	sbarrier.arrive $0xFFFF;
	s2 =	simm.s32 @!p0 $0x1C05  }
0xb5: {  	[timem:s3], [sflag:s2] =	dma.local @!p0 [hbm:s0], s1  }
0xb6: {  	s0 =	simm.s32 @!p0 $0x5  }
0xb7: {  	_ =	swait.ge @!p0 [sflag:s0], s1  }
0xb8: {  	s1 =	ssub.s32 @!p0 $0x0, s1;
	[sflag:s0] =	ssyncset.done @!p0 $0x0  }
0xb9: {  	[sflag:s0] =	ssyncadd.s32 @!p0 s1  }
0xba: {  	[bflag:$0x3] =	sbarrier.arrive $0xFFFF  }
0xbb: {  	_ =	shalt  }

</sc_bundles>
